<compile_context>
chip_gen: v7x
topology: tpu7x:2x2x1
jax: 0.10.2.dev20260603
libtpu: 0.0.44.dev20260713+nightly
codegen_flags: <defaults>
</compile_context>

<pallas_src>
import jax
import jax.numpy as jnp
from jax import lax
from jax.experimental import pallas as pl
from jax.experimental.pallas import tpu as pltpu
from jax.experimental.pallas import tpu_sc as plsc

MAX_LEN = 4000
D = 128
BATCH = 4096
HIST = 200
B_TOTAL = BATCH * HIST
NC = 2
NS = 16
NW = NC * NS
B_PER_W = B_TOTAL // NW
CHUNK = 128
N_CHUNKS = B_PER_W // CHUNK
NBUF = 4
GROUP = NBUF * CHUNK
N_GROUPS = N_CHUNKS // NBUF


def _gather_body(table_hbm, idx_hbm, out_hbm, table_sp, idx_all, rows, *sems):
    gsems, wsems = sems[:NBUF], sems[NBUF:]
    sid = lax.axis_index("s")
    wid = sid * NC + lax.axis_index("c")
    base = wid * B_PER_W

    @pl.when(sid == 0)
    def _stage_table():
        pltpu.sync_copy(table_hbm, table_sp)

    pltpu.sync_copy(idx_hbm.at[wid], idx_all)
    plsc.subcore_barrier()

    def group(g, carry):
        goff = base + g * GROUP
        descs = []
        for b in range(NBUF):
            @pl.when(g > 0)
            def _wait_prev_write(b=b):
                pltpu.make_async_copy(
                    rows.at[b], out_hbm.at[pl.ds(goff + b * CHUNK, CHUNK)], wsems[b]
                ).wait()

            d = pltpu.make_async_copy(
                table_sp.at[idx_all.at[g * NBUF + b]], rows.at[b], gsems[b]
            )
            d.start()
            descs.append(d)
        for b in range(NBUF):
            descs[b].wait()
            pltpu.async_copy(
                rows.at[b], out_hbm.at[pl.ds(goff + b * CHUNK, CHUNK)], wsems[b]
            )
        return carry

    lax.fori_loop(0, N_GROUPS, group, 0)

    for b in range(NBUF):
        pltpu.make_async_copy(
            rows.at[b], out_hbm.at[pl.ds(base + b * CHUNK, CHUNK)], wsems[b]
        ).wait()


def kernel(pe, time_idx):
    table = pe.reshape(MAX_LEN, D)
    idx = time_idx.reshape(NW, N_CHUNKS, CHUNK).astype(jnp.int32)
    mesh = plsc.VectorSubcoreMesh(core_axis_name="c", subcore_axis_name="s")
    out = pl.kernel(
        _gather_body,
        out_type=jax.ShapeDtypeStruct((B_TOTAL, D), jnp.float32),
        mesh=mesh,
        scratch_types=[
            pltpu.VMEM_SHARED((MAX_LEN, D), jnp.float32),
            pltpu.VMEM((N_CHUNKS, CHUNK), jnp.int32),
            pltpu.VMEM((NBUF, CHUNK, D), jnp.float32),
        ]
        + [pltpu.SemaphoreType.DMA] * (2 * NBUF),
    )(table, idx)
    return out.reshape(BATCH, HIST, D)

# --- scband reference (transcript-rebuilt; emitter-appended) ---
"""Pipeline reference for scband-fixed-positional-embedding-function-83219286327814 (READ-ONLY COPY).

The authoritative reference and input builder live on the scoring server;
editing this copy changes nothing except your own understanding.
"""

import math
import jax, jax.numpy as jnp
import numpy as np

MAX_LEN = 4000
NUM_DIMS = 128
NUM_FREQ = 10000.0
BATCH = 4096
HIST = 200


def _build_pe():
    position = jnp.arange(0, MAX_LEN, dtype=jnp.float32)[:, None]
    div_term = jnp.exp(jnp.arange(0, NUM_DIMS, 2, dtype=jnp.float32) * (-math.log(NUM_FREQ) / NUM_DIMS))
    pe = jnp.zeros((MAX_LEN, NUM_DIMS), dtype=jnp.float32)
    pe = pe.at[:, 0::2].set(jnp.sin(position * div_term))
    pe = pe.at[:, 1::2].set(jnp.cos(position * div_term))
    # pe.unsqueeze(0).transpose(0, 1) -> [max_len, 1, num_dims]
    pe = pe[:, None, :]
    return pe


def setup_inputs(seed: int = 0) -> dict:
    key = jax.random.key(seed)
    pe = _build_pe()
    time_idx = jax.random.randint(key, (BATCH, HIST), 0, MAX_LEN)
    return {"pe": pe, "time_idx": time_idx}


def reference(pe, time_idx):
    # predict: self.pe[steps.long(), :].squeeze()
    # pe: [max_len, 1, num_dims]; gather -> [B, L, 1, D]; squeeze -> [B, L, D]
    gathered = jnp.take(pe, time_idx, axis=0)
    return jnp.squeeze(gathered, axis=2)

if __name__ == "__main__":
    import jax
    _d = setup_inputs()
    print(jax.jit(kernel)(*tuple(_d.values())))

</pallas_src>

<mosaic_0001>
#map = affine_map<(d0, d1) -> (0, 0)>
#map1 = affine_map<(d0, d1) -> (0, 0, 0)>
module attributes {stable_mosaic.version = 14 : i64} {
  func.func @_gather_body(%arg0: i32, %arg1: i32, %arg2: memref<4000x128xf32, #tpu.memory_space<hbm>>, %arg3: memref<32x200x128xi32, #tpu.memory_space<hbm>>, %arg4: memref<819200x128xf32, #tpu.memory_space<hbm>>, %arg5: memref<4000x128xf32, #tpu.memory_space<vmem_shared>>, %arg6: memref<200x128xi32, #tpu.memory_space<vmem>>, %arg7: memref<4x128x128xf32, #tpu.memory_space<vmem>>, %arg8: memref<!tpu.dma_semaphore, #tpu.memory_space<semaphore_mem>>, %arg9: memref<!tpu.dma_semaphore, #tpu.memory_space<semaphore_mem>>, %arg10: memref<!tpu.dma_semaphore, #tpu.memory_space<semaphore_mem>>, %arg11: memref<!tpu.dma_semaphore, #tpu.memory_space<semaphore_mem>>, %arg12: memref<!tpu.dma_semaphore, #tpu.memory_space<semaphore_mem>>, %arg13: memref<!tpu.dma_semaphore, #tpu.memory_space<semaphore_mem>>, %arg14: memref<!tpu.dma_semaphore, #tpu.memory_space<semaphore_mem>>, %arg15: memref<!tpu.dma_semaphore, #tpu.memory_space<semaphore_mem>>) attributes {dimension_semantics = [#tpu.dimension_semantics<core_parallel>, #tpu.dimension_semantics<subcore_parallel>], iteration_bounds = array<i64: 2, 16>, scalar_prefetch = 0 : i64, scratch_operands = 11 : i64, tpu.core_type = #tpu.core_type<sc_vector_subcore>, window_params = [{transform_indices = #map}, {transform_indices = #map1}, {transform_indices = #map}]} {
    %mul3A = arith.constant 2 : i32
    %mul3A_0 = arith.muli %arg1, %mul3A : i32
    %add3A = arith.addi %mul3A_0, %arg0 : i32
    %mul3A_1 = arith.constant 25600 : i32
    %mul3A_2 = arith.muli %add3A, %mul3A_1 : i32
    %eq3A = arith.constant 0 : i32
    %eq3A_3 = arith.cmpi eq, %arg1, %eq3A : i32
    %convert_element_type3A = arith.extui %eq3A_3 : i1 to i32
    %cond3A = arith.constant 0 : i32
    %cond3A_4 = arith.cmpi ne, %convert_element_type3A, %cond3A : i32
    scf.if %cond3A_4 {
      "tpu.region"() ({
        %run_scoped3A = tpu.sem_alloc : memref<!tpu.dma_semaphore, #tpu.memory_space<semaphore_mem>>
        tpu.enqueue_dma source(%arg2 : memref<4000x128xf32, #tpu.memory_space<hbm>>) target(%arg5 : memref<4000x128xf32, #tpu.memory_space<vmem_shared>>) target_semaphore(%run_scoped3A : memref<!tpu.dma_semaphore, #tpu.memory_space<semaphore_mem>>)
        tpu.wait_dma2 semaphore(%run_scoped3A : memref<!tpu.dma_semaphore, #tpu.memory_space<semaphore_mem>>) src(%arg2 : memref<4000x128xf32, #tpu.memory_space<hbm>>) dst(%arg5 : memref<4000x128xf32, #tpu.memory_space<vmem_shared>>)
        tpu.yield
      }) : () -> ()
    } else {
    }
    "tpu.region"() ({
      %run_scoped3A = tpu.sem_alloc : memref<!tpu.dma_semaphore, #tpu.memory_space<semaphore_mem>>
      %dma_start3A = arith.constant 0 : i32
      %dma_start3A_69 = arith.constant 0 : i32
      %dma_start3A_70 = tpu.memref_slice %arg3[%add3A, %dma_start3A, %dma_start3A_69] : memref<32x200x128xi32, #tpu.memory_space<hbm>> -> memref<1x200x128xi32, #tpu.memory_space<hbm>>
      %dma_start3A_71 = tpu.memref_squeeze %dma_start3A_70 : memref<1x200x128xi32, #tpu.memory_space<hbm>> -> memref<200x128xi32, #tpu.memory_space<hbm>>
      %dma_start3A_72 = arith.constant 0 : i32
      %dma_start3A_73 = arith.constant 0 : i32
      %dma_start3A_74 = tpu.memref_slice %arg3[%add3A, %dma_start3A_72, %dma_start3A_73] : memref<32x200x128xi32, #tpu.memory_space<hbm>> -> memref<1x200x128xi32, #tpu.memory_space<hbm>>
      %dma_start3A_75 = tpu.memref_squeeze %dma_start3A_74 : memref<1x200x128xi32, #tpu.memory_space<hbm>> -> memref<200x128xi32, #tpu.memory_space<hbm>>
      tpu.enqueue_dma source(%dma_start3A_75 : memref<200x128xi32, #tpu.memory_space<hbm>>) target(%arg6 : memref<200x128xi32, #tpu.memory_space<vmem>>) target_semaphore(%run_scoped3A : memref<!tpu.dma_semaphore, #tpu.memory_space<semaphore_mem>>)
      %dma_wait3A_76 = arith.constant 0 : i32
      %dma_wait3A_77 = arith.constant 0 : i32
      %dma_wait3A_78 = tpu.memref_slice %arg3[%add3A, %dma_wait3A_76, %dma_wait3A_77] : memref<32x200x128xi32, #tpu.memory_space<hbm>> -> memref<1x200x128xi32, #tpu.memory_space<hbm>>
      %dma_wait3A_79 = tpu.memref_squeeze %dma_wait3A_78 : memref<1x200x128xi32, #tpu.memory_space<hbm>> -> memref<200x128xi32, #tpu.memory_space<hbm>>
      %dma_wait3A_80 = arith.constant 0 : i32
      %dma_wait3A_81 = arith.constant 0 : i32
      %dma_wait3A_82 = tpu.memref_slice %arg3[%add3A, %dma_wait3A_80, %dma_wait3A_81] : memref<32x200x128xi32, #tpu.memory_space<hbm>> -> memref<1x200x128xi32, #tpu.memory_space<hbm>>
      %dma_wait3A_83 = tpu.memref_squeeze %dma_wait3A_82 : memref<1x200x128xi32, #tpu.memory_space<hbm>> -> memref<200x128xi32, #tpu.memory_space<hbm>>
      tpu.wait_dma2 semaphore(%run_scoped3A : memref<!tpu.dma_semaphore, #tpu.memory_space<semaphore_mem>>) src(%dma_wait3A_83 : memref<200x128xi32, #tpu.memory_space<hbm>>) dst(%arg6 : memref<200x128xi32, #tpu.memory_space<vmem>>)
      tpu.yield
    }) : () -> ()
    %barrier3A = arith.constant 0 : index
    tpu.barrier barrier_id(%barrier3A)
    %scan3A = arith.constant 0 : i32
    %scan3A_5 = arith.constant 0 : i32
    %scan3A_6 = arith.constant 50 : i32
    %scan3A_7 = arith.addi %scan3A_5, %scan3A_6 : i32
    %scan3A_8 = arith.constant 1 : i32
    scf.for %scan3A_69 = %scan3A_5 to %scan3A_7 step %scan3A_8  : i32 {
      %mul3A_70 = arith.constant 512 : i32
      %mul3A_71 = arith.muli %scan3A_69, %mul3A_70 : i32
      %add3A_72 = arith.addi %mul3A_2, %mul3A_71 : i32
      %gt3A = arith.constant 0 : i32
      %gt3A_73 = arith.cmpi sgt, %scan3A_69, %gt3A : i32
      %convert_element_type3A_74 = arith.extui %gt3A_73 : i1 to i32
      %cond3A_75 = arith.constant 0 : i32
      %cond3A_76 = arith.cmpi ne, %convert_element_type3A_74, %cond3A_75 : i32
      scf.if %cond3A_76 {
        %add3A_255 = arith.constant 0 : i32
        %add3A_256 = arith.addi %add3A_72, %add3A_255 : i32
        %dma_wait3A_257 = arith.constant 0 : i32
        %dma_wait3A_258 = arith.constant 0 : i32
        %dma_wait3A_259 = arith.constant 0 : i32
        %dma_wait3A_260 = tpu.memref_slice %arg7[%dma_wait3A_257, %dma_wait3A_258, %dma_wait3A_259] : memref<4x128x128xf32, #tpu.memory_space<vmem>> -> memref<1x128x128xf32, #tpu.memory_space<vmem>>
        %dma_wait3A_261 = tpu.memref_squeeze %dma_wait3A_260 : memref<1x128x128xf32, #tpu.memory_space<vmem>> -> memref<128x128xf32, #tpu.memory_space<vmem>>
        %dma_wait3A_262 = arith.constant 0 : i32
        %dma_wait3A_263 = tpu.memref_slice %arg4[%add3A_256, %dma_wait3A_262] : memref<819200x128xf32, #tpu.memory_space<hbm>> -> memref<128x128xf32, #tpu.memory_space<hbm>>
        %dma_wait3A_264 = arith.constant 0 : i32
        %dma_wait3A_265 = tpu.memref_slice %arg4[%add3A_256, %dma_wait3A_264] : memref<819200x128xf32, #tpu.memory_space<hbm>> -> memref<128x128xf32, #tpu.memory_space<hbm>>
        %dma_wait3A_266 = arith.constant 0 : i32
        %dma_wait3A_267 = arith.constant 0 : i32
        %dma_wait3A_268 = tpu.memref_slice %arg7[%dma_wait3A_257, %dma_wait3A_266, %dma_wait3A_267] : memref<4x128x128xf32, #tpu.memory_space<vmem>> -> memref<1x128x128xf32, #tpu.memory_space<vmem>>
        %dma_wait3A_269 = tpu.memref_squeeze %dma_wait3A_268 : memref<1x128x128xf32, #tpu.memory_space<vmem>> -> memref<128x128xf32, #tpu.memory_space<vmem>>
        tpu.wait_dma2 semaphore(%arg12 : memref<!tpu.dma_semaphore, #tpu.memory_space<semaphore_mem>>) src(%dma_wait3A_269 : memref<128x128xf32, #tpu.memory_space<vmem>>) dst(%dma_wait3A_265 : memref<128x128xf32, #tpu.memory_space<hbm>>)
      } else {
      }
      %mul3A_77 = arith.constant 4 : i32
      %mul3A_78 = arith.muli %scan3A_69, %mul3A_77 : i32
      %add3A_79 = arith.constant 0 : i32
      %add3A_80 = arith.addi %mul3A_78, %add3A_79 : i32
      %dma_start3A = arith.constant 0 : i32
      %dma_start3A_81 = arith.constant 0 : i32
      %dma_start3A_82 = arith.constant 0 : i32
      %dma_start3A_83 = tpu.memref_slice %arg7[%dma_start3A, %dma_start3A_81, %dma_start3A_82] : memref<4x128x128xf32, #tpu.memory_space<vmem>> -> memref<1x128x128xf32, #tpu.memory_space<vmem>>
      %dma_start3A_84 = tpu.memref_squeeze %dma_start3A_83 : memref<1x128x128xf32, #tpu.memory_space<vmem>> -> memref<128x128xf32, #tpu.memory_space<vmem>>
      %dma_start3A_85 = arith.constant 0 : i32
      %dma_start3A_86 = tpu.memref_slice %arg6[%add3A_80, %dma_start3A_85] : memref<200x128xi32, #tpu.memory_space<vmem>> -> memref<1x128xi32, #tpu.memory_space<vmem>>
      %dma_start3A_87 = tpu.memref_squeeze %dma_start3A_86 : memref<1x128xi32, #tpu.memory_space<vmem>> -> memref<128xi32, #tpu.memory_space<vmem>>
      %dma_start3A_88 = arith.constant 0 : i32
      %dma_start3A_89 = arith.constant 0 : i32
      %dma_start3A_90 = tpu.memref_slice %arg5[%dma_start3A_88, %dma_start3A_89] : memref<4000x128xf32, #tpu.memory_space<vmem_shared>> -> memref<4000x128xf32, #tpu.memory_space<vmem_shared>>
      tpu.enqueue_indirect_dma source(%dma_start3A_90 : memref<4000x128xf32, #tpu.memory_space<vmem_shared>>) target(%dma_start3A_84 : memref<128x128xf32, #tpu.memory_space<vmem>>) offsets(%dma_start3A_87 : memref<128xi32, #tpu.memory_space<vmem>>) semaphore(%arg8 : memref<!tpu.dma_semaphore, #tpu.memory_space<semaphore_mem>>)
      %gt3A_91 = arith.constant 0 : i32
      %gt3A_92 = arith.cmpi sgt, %scan3A_69, %gt3A_91 : i32
      %convert_element_type3A_93 = arith.extui %gt3A_92 : i1 to i32
      %cond3A_94 = arith.constant 0 : i32
      %cond3A_95 = arith.cmpi ne, %convert_element_type3A_93, %cond3A_94 : i32
      scf.if %cond3A_95 {
        %add3A_255 = arith.constant 128 : i32
        %add3A_256 = arith.addi %add3A_72, %add3A_255 : i32
        %dma_wait3A_257 = arith.constant 1 : i32
        %dma_wait3A_258 = arith.constant 0 : i32
        %dma_wait3A_259 = arith.constant 0 : i32
        %dma_wait3A_260 = tpu.memref_slice %arg7[%dma_wait3A_257, %dma_wait3A_258, %dma_wait3A_259] : memref<4x128x128xf32, #tpu.memory_space<vmem>> -> memref<1x128x128xf32, #tpu.memory_space<vmem>>
        %dma_wait3A_261 = tpu.memref_squeeze %dma_wait3A_260 : memref<1x128x128xf32, #tpu.memory_space<vmem>> -> memref<128x128xf32, #tpu.memory_space<vmem>>
        %dma_wait3A_262 = arith.constant 0 : i32
        %dma_wait3A_263 = tpu.memref_slice %arg4[%add3A_256, %dma_wait3A_262] : memref<819200x128xf32, #tpu.memory_space<hbm>> -> memref<128x128xf32, #tpu.memory_space<hbm>>
        %dma_wait3A_264 = arith.constant 0 : i32
        %dma_wait3A_265 = tpu.memref_slice %arg4[%add3A_256, %dma_wait3A_264] : memref<819200x128xf32, #tpu.memory_space<hbm>> -> memref<128x128xf32, #tpu.memory_space<hbm>>
        %dma_wait3A_266 = arith.constant 0 : i32
        %dma_wait3A_267 = arith.constant 0 : i32
        %dma_wait3A_268 = tpu.memref_slice %arg7[%dma_wait3A_257, %dma_wait3A_266, %dma_wait3A_267] : memref<4x128x128xf32, #tpu.memory_space<vmem>> -> memref<1x128x128xf32, #tpu.memory_space<vmem>>
        %dma_wait3A_269 = tpu.memref_squeeze %dma_wait3A_268 : memref<1x128x128xf32, #tpu.memory_space<vmem>> -> memref<128x128xf32, #tpu.memory_space<vmem>>
        tpu.wait_dma2 semaphore(%arg13 : memref<!tpu.dma_semaphore, #tpu.memory_space<semaphore_mem>>) src(%dma_wait3A_269 : memref<128x128xf32, #tpu.memory_space<vmem>>) dst(%dma_wait3A_265 : memref<128x128xf32, #tpu.memory_space<hbm>>)
      } else {
      }
      %mul3A_96 = arith.constant 4 : i32
      %mul3A_97 = arith.muli %scan3A_69, %mul3A_96 : i32
      %add3A_98 = arith.constant 1 : i32
      %add3A_99 = arith.addi %mul3A_97, %add3A_98 : i32
      %dma_start3A_100 = arith.constant 1 : i32
      %dma_start3A_101 = arith.constant 0 : i32
      %dma_start3A_102 = arith.constant 0 : i32
      %dma_start3A_103 = tpu.memref_slice %arg7[%dma_start3A_100, %dma_start3A_101, %dma_start3A_102] : memref<4x128x128xf32, #tpu.memory_space<vmem>> -> memref<1x128x128xf32, #tpu.memory_space<vmem>>
      %dma_start3A_104 = tpu.memref_squeeze %dma_start3A_103 : memref<1x128x128xf32, #tpu.memory_space<vmem>> -> memref<128x128xf32, #tpu.memory_space<vmem>>
      %dma_start3A_105 = arith.constant 0 : i32
      %dma_start3A_106 = tpu.memref_slice %arg6[%add3A_99, %dma_start3A_105] : memref<200x128xi32, #tpu.memory_space<vmem>> -> memref<1x128xi32, #tpu.memory_space<vmem>>
      %dma_start3A_107 = tpu.memref_squeeze %dma_start3A_106 : memref<1x128xi32, #tpu.memory_space<vmem>> -> memref<128xi32, #tpu.memory_space<vmem>>
      %dma_start3A_108 = arith.constant 0 : i32
      %dma_start3A_109 = arith.constant 0 : i32
      %dma_start3A_110 = tpu.memref_slice %arg5[%dma_start3A_108, %dma_start3A_109] : memref<4000x128xf32, #tpu.memory_space<vmem_shared>> -> memref<4000x128xf32, #tpu.memory_space<vmem_shared>>
      tpu.enqueue_indirect_dma source(%dma_start3A_110 : memref<4000x128xf32, #tpu.memory_space<vmem_shared>>) target(%dma_start3A_104 : memref<128x128xf32, #tpu.memory_space<vmem>>) offsets(%dma_start3A_107 : memref<128xi32, #tpu.memory_space<vmem>>) semaphore(%arg9 : memref<!tpu.dma_semaphore, #tpu.memory_space<semaphore_mem>>)
      %gt3A_111 = arith.constant 0 : i32
      %gt3A_112 = arith.cmpi sgt, %scan3A_69, %gt3A_111 : i32
      %convert_element_type3A_113 = arith.extui %gt3A_112 : i1 to i32
      %cond3A_114 = arith.constant 0 : i32
      %cond3A_115 = arith.cmpi ne, %convert_element_type3A_113, %cond3A_114 : i32
      scf.if %cond3A_115 {
        %add3A_255 = arith.constant 256 : i32
        %add3A_256 = arith.addi %add3A_72, %add3A_255 : i32
        %dma_wait3A_257 = arith.constant 2 : i32
        %dma_wait3A_258 = arith.constant 0 : i32
        %dma_wait3A_259 = arith.constant 0 : i32
        %dma_wait3A_260 = tpu.memref_slice %arg7[%dma_wait3A_257, %dma_wait3A_258, %dma_wait3A_259] : memref<4x128x128xf32, #tpu.memory_space<vmem>> -> memref<1x128x128xf32, #tpu.memory_space<vmem>>
        %dma_wait3A_261 = tpu.memref_squeeze %dma_wait3A_260 : memref<1x128x128xf32, #tpu.memory_space<vmem>> -> memref<128x128xf32, #tpu.memory_space<vmem>>
        %dma_wait3A_262 = arith.constant 0 : i32
        %dma_wait3A_263 = tpu.memref_slice %arg4[%add3A_256, %dma_wait3A_262] : memref<819200x128xf32, #tpu.memory_space<hbm>> -> memref<128x128xf32, #tpu.memory_space<hbm>>
        %dma_wait3A_264 = arith.constant 0 : i32
        %dma_wait3A_265 = tpu.memref_slice %arg4[%add3A_256, %dma_wait3A_264] : memref<819200x128xf32, #tpu.memory_space<hbm>> -> memref<128x128xf32, #tpu.memory_space<hbm>>
        %dma_wait3A_266 = arith.constant 0 : i32
        %dma_wait3A_267 = arith.constant 0 : i32
        %dma_wait3A_268 = tpu.memref_slice %arg7[%dma_wait3A_257, %dma_wait3A_266, %dma_wait3A_267] : memref<4x128x128xf32, #tpu.memory_space<vmem>> -> memref<1x128x128xf32, #tpu.memory_space<vmem>>
        %dma_wait3A_269 = tpu.memref_squeeze %dma_wait3A_268 : memref<1x128x128xf32, #tpu.memory_space<vmem>> -> memref<128x128xf32, #tpu.memory_space<vmem>>
        tpu.wait_dma2 semaphore(%arg14 : memref<!tpu.dma_semaphore, #tpu.memory_space<semaphore_mem>>) src(%dma_wait3A_269 : memref<128x128xf32, #tpu.memory_space<vmem>>) dst(%dma_wait3A_265 : memref<128x128xf32, #tpu.memory_space<hbm>>)
      } else {
      }
      %mul3A_116 = arith.constant 4 : i32
      %mul3A_117 = arith.muli %scan3A_69, %mul3A_116 : i32
      %add3A_118 = arith.constant 2 : i32
      %add3A_119 = arith.addi %mul3A_117, %add3A_118 : i32
      %dma_start3A_120 = arith.constant 2 : i32
      %dma_start3A_121 = arith.constant 0 : i32
      %dma_start3A_122 = arith.constant 0 : i32
      %dma_start3A_123 = tpu.memref_slice %arg7[%dma_start3A_120, %dma_start3A_121, %dma_start3A_122] : memref<4x128x128xf32, #tpu.memory_space<vmem>> -> memref<1x128x128xf32, #tpu.memory_space<vmem>>
      %dma_start3A_124 = tpu.memref_squeeze %dma_start3A_123 : memref<1x128x128xf32, #tpu.memory_space<vmem>> -> memref<128x128xf32, #tpu.memory_space<vmem>>
      %dma_start3A_125 = arith.constant 0 : i32
      %dma_start3A_126 = tpu.memref_slice %arg6[%add3A_119, %dma_start3A_125] : memref<200x128xi32, #tpu.memory_space<vmem>> -> memref<1x128xi32, #tpu.memory_space<vmem>>
      %dma_start3A_127 = tpu.memref_squeeze %dma_start3A_126 : memref<1x128xi32, #tpu.memory_space<vmem>> -> memref<128xi32, #tpu.memory_space<vmem>>
      %dma_start3A_128 = arith.constant 0 : i32
      %dma_start3A_129 = arith.constant 0 : i32
      %dma_start3A_130 = tpu.memref_slice %arg5[%dma_start3A_128, %dma_start3A_129] : memref<4000x128xf32, #tpu.memory_space<vmem_shared>> -> memref<4000x128xf32, #tpu.memory_space<vmem_shared>>
      tpu.enqueue_indirect_dma source(%dma_start3A_130 : memref<4000x128xf32, #tpu.memory_space<vmem_shared>>) target(%dma_start3A_124 : memref<128x128xf32, #tpu.memory_space<vmem>>) offsets(%dma_start3A_127 : memref<128xi32, #tpu.memory_space<vmem>>) semaphore(%arg10 : memref<!tpu.dma_semaphore, #tpu.memory_space<semaphore_mem>>)
      %gt3A_131 = arith.constant 0 : i32
      %gt3A_132 = arith.cmpi sgt, %scan3A_69, %gt3A_131 : i32
      %convert_element_type3A_133 = arith.extui %gt3A_132 : i1 to i32
      %cond3A_134 = arith.constant 0 : i32
      %cond3A_135 = arith.cmpi ne, %convert_element_type3A_133, %cond3A_134 : i32
      scf.if %cond3A_135 {
        %add3A_255 = arith.constant 384 : i32
        %add3A_256 = arith.addi %add3A_72, %add3A_255 : i32
        %dma_wait3A_257 = arith.constant 3 : i32
        %dma_wait3A_258 = arith.constant 0 : i32
        %dma_wait3A_259 = arith.constant 0 : i32
        %dma_wait3A_260 = tpu.memref_slice %arg7[%dma_wait3A_257, %dma_wait3A_258, %dma_wait3A_259] : memref<4x128x128xf32, #tpu.memory_space<vmem>> -> memref<1x128x128xf32, #tpu.memory_space<vmem>>
        %dma_wait3A_261 = tpu.memref_squeeze %dma_wait3A_260 : memref<1x128x128xf32, #tpu.memory_space<vmem>> -> memref<128x128xf32, #tpu.memory_space<vmem>>
        %dma_wait3A_262 = arith.constant 0 : i32
        %dma_wait3A_263 = tpu.memref_slice %arg4[%add3A_256, %dma_wait3A_262] : memref<819200x128xf32, #tpu.memory_space<hbm>> -> memref<128x128xf32, #tpu.memory_space<hbm>>
        %dma_wait3A_264 = arith.constant 0 : i32
        %dma_wait3A_265 = tpu.memref_slice %arg4[%add3A_256, %dma_wait3A_264] : memref<819200x128xf32, #tpu.memory_space<hbm>> -> memref<128x128xf32, #tpu.memory_space<hbm>>
        %dma_wait3A_266 = arith.constant 0 : i32
        %dma_wait3A_267 = arith.constant 0 : i32
        %dma_wait3A_268 = tpu.memref_slice %arg7[%dma_wait3A_257, %dma_wait3A_266, %dma_wait3A_267] : memref<4x128x128xf32, #tpu.memory_space<vmem>> -> memref<1x128x128xf32, #tpu.memory_space<vmem>>
        %dma_wait3A_269 = tpu.memref_squeeze %dma_wait3A_268 : memref<1x128x128xf32, #tpu.memory_space<vmem>> -> memref<128x128xf32, #tpu.memory_space<vmem>>
        tpu.wait_dma2 semaphore(%arg15 : memref<!tpu.dma_semaphore, #tpu.memory_space<semaphore_mem>>) src(%dma_wait3A_269 : memref<128x128xf32, #tpu.memory_space<vmem>>) dst(%dma_wait3A_265 : memref<128x128xf32, #tpu.memory_space<hbm>>)
      } else {
      }
      %mul3A_136 = arith.constant 4 : i32
      %mul3A_137 = arith.muli %scan3A_69, %mul3A_136 : i32
      %add3A_138 = arith.constant 3 : i32
      %add3A_139 = arith.addi %mul3A_137, %add3A_138 : i32
      %dma_start3A_140 = arith.constant 3 : i32
      %dma_start3A_141 = arith.constant 0 : i32
      %dma_start3A_142 = arith.constant 0 : i32
      %dma_start3A_143 = tpu.memref_slice %arg7[%dma_start3A_140, %dma_start3A_141, %dma_start3A_142] : memref<4x128x128xf32, #tpu.memory_space<vmem>> -> memref<1x128x128xf32, #tpu.memory_space<vmem>>
      %dma_start3A_144 = tpu.memref_squeeze %dma_start3A_143 : memref<1x128x128xf32, #tpu.memory_space<vmem>> -> memref<128x128xf32, #tpu.memory_space<vmem>>
      %dma_start3A_145 = arith.constant 0 : i32
      %dma_start3A_146 = tpu.memref_slice %arg6[%add3A_139, %dma_start3A_145] : memref<200x128xi32, #tpu.memory_space<vmem>> -> memref<1x128xi32, #tpu.memory_space<vmem>>
      %dma_start3A_147 = tpu.memref_squeeze %dma_start3A_146 : memref<1x128xi32, #tpu.memory_space<vmem>> -> memref<128xi32, #tpu.memory_space<vmem>>
      %dma_start3A_148 = arith.constant 0 : i32
      %dma_start3A_149 = arith.constant 0 : i32
      %dma_start3A_150 = tpu.memref_slice %arg5[%dma_start3A_148, %dma_start3A_149] : memref<4000x128xf32, #tpu.memory_space<vmem_shared>> -> memref<4000x128xf32, #tpu.memory_space<vmem_shared>>
      tpu.enqueue_indirect_dma source(%dma_start3A_150 : memref<4000x128xf32, #tpu.memory_space<vmem_shared>>) target(%dma_start3A_144 : memref<128x128xf32, #tpu.memory_space<vmem>>) offsets(%dma_start3A_147 : memref<128xi32, #tpu.memory_space<vmem>>) semaphore(%arg11 : memref<!tpu.dma_semaphore, #tpu.memory_space<semaphore_mem>>)
      %dma_wait3A_151 = arith.constant 0 : i32
      %dma_wait3A_152 = arith.constant 0 : i32
      %dma_wait3A_153 = arith.constant 0 : i32
      %dma_wait3A_154 = tpu.memref_slice %arg7[%dma_wait3A_151, %dma_wait3A_152, %dma_wait3A_153] : memref<4x128x128xf32, #tpu.memory_space<vmem>> -> memref<1x128x128xf32, #tpu.memory_space<vmem>>
      %dma_wait3A_155 = tpu.memref_squeeze %dma_wait3A_154 : memref<1x128x128xf32, #tpu.memory_space<vmem>> -> memref<128x128xf32, #tpu.memory_space<vmem>>
      %dma_wait3A_156 = arith.constant 0 : i32
      %dma_wait3A_157 = tpu.memref_slice %arg6[%add3A_80, %dma_wait3A_156] : memref<200x128xi32, #tpu.memory_space<vmem>> -> memref<1x128xi32, #tpu.memory_space<vmem>>
      %dma_wait3A_158 = tpu.memref_squeeze %dma_wait3A_157 : memref<1x128xi32, #tpu.memory_space<vmem>> -> memref<128xi32, #tpu.memory_space<vmem>>
      %dma_wait3A_159 = arith.constant 0 : i32
      %dma_wait3A_160 = arith.constant 0 : i32
      %dma_wait3A_161 = tpu.memref_slice %arg5[%dma_wait3A_159, %dma_wait3A_160] : memref<4000x128xf32, #tpu.memory_space<vmem_shared>> -> memref<4000x128xf32, #tpu.memory_space<vmem_shared>>
      tpu.wait_indirect_dma semaphore(%arg8 : memref<!tpu.dma_semaphore, #tpu.memory_space<semaphore_mem>>) src(%dma_wait3A_161 : memref<4000x128xf32, #tpu.memory_space<vmem_shared>>) dst(%dma_wait3A_155 : memref<128x128xf32, #tpu.memory_space<vmem>>)
      %add3A_162 = arith.constant 0 : i32
      %add3A_163 = arith.addi %add3A_72, %add3A_162 : i32
      %dma_start3A_164 = arith.constant 0 : i32
      %dma_start3A_165 = arith.constant 0 : i32
      %dma_start3A_166 = arith.constant 0 : i32
      %dma_start3A_167 = tpu.memref_slice %arg7[%dma_start3A_164, %dma_start3A_165, %dma_start3A_166] : memref<4x128x128xf32, #tpu.memory_space<vmem>> -> memref<1x128x128xf32, #tpu.memory_space<vmem>>
      %dma_start3A_168 = tpu.memref_squeeze %dma_start3A_167 : memref<1x128x128xf32, #tpu.memory_space<vmem>> -> memref<128x128xf32, #tpu.memory_space<vmem>>
      %dma_start3A_169 = arith.constant 0 : i32
      %dma_start3A_170 = tpu.memref_slice %arg4[%add3A_163, %dma_start3A_169] : memref<819200x128xf32, #tpu.memory_space<hbm>> -> memref<128x128xf32, #tpu.memory_space<hbm>>
      %dma_start3A_171 = arith.constant 0 : i32
      %dma_start3A_172 = tpu.memref_slice %arg4[%add3A_163, %dma_start3A_171] : memref<819200x128xf32, #tpu.memory_space<hbm>> -> memref<128x128xf32, #tpu.memory_space<hbm>>
      %dma_start3A_173 = arith.constant 0 : i32
      %dma_start3A_174 = arith.constant 0 : i32
      %dma_start3A_175 = tpu.memref_slice %arg7[%dma_start3A_164, %dma_start3A_173, %dma_start3A_174] : memref<4x128x128xf32, #tpu.memory_space<vmem>> -> memref<1x128x128xf32, #tpu.memory_space<vmem>>
      %dma_start3A_176 = tpu.memref_squeeze %dma_start3A_175 : memref<1x128x128xf32, #tpu.memory_space<vmem>> -> memref<128x128xf32, #tpu.memory_space<vmem>>
      tpu.enqueue_dma source(%dma_start3A_176 : memref<128x128xf32, #tpu.memory_space<vmem>>) target(%dma_start3A_172 : memref<128x128xf32, #tpu.memory_space<hbm>>) target_semaphore(%arg12 : memref<!tpu.dma_semaphore, #tpu.memory_space<semaphore_mem>>)
      %dma_wait3A_177 = arith.constant 1 : i32
      %dma_wait3A_178 = arith.constant 0 : i32
      %dma_wait3A_179 = arith.constant 0 : i32
      %dma_wait3A_180 = tpu.memref_slice %arg7[%dma_wait3A_177, %dma_wait3A_178, %dma_wait3A_179] : memref<4x128x128xf32, #tpu.memory_space<vmem>> -> memref<1x128x128xf32, #tpu.memory_space<vmem>>
      %dma_wait3A_181 = tpu.memref_squeeze %dma_wait3A_180 : memref<1x128x128xf32, #tpu.memory_space<vmem>> -> memref<128x128xf32, #tpu.memory_space<vmem>>
      %dma_wait3A_182 = arith.constant 0 : i32
      %dma_wait3A_183 = tpu.memref_slice %arg6[%add3A_99, %dma_wait3A_182] : memref<200x128xi32, #tpu.memory_space<vmem>> -> memref<1x128xi32, #tpu.memory_space<vmem>>
      %dma_wait3A_184 = tpu.memref_squeeze %dma_wait3A_183 : memref<1x128xi32, #tpu.memory_space<vmem>> -> memref<128xi32, #tpu.memory_space<vmem>>
      %dma_wait3A_185 = arith.constant 0 : i32
      %dma_wait3A_186 = arith.constant 0 : i32
      %dma_wait3A_187 = tpu.memref_slice %arg5[%dma_wait3A_185, %dma_wait3A_186] : memref<4000x128xf32, #tpu.memory_space<vmem_shared>> -> memref<4000x128xf32, #tpu.memory_space<vmem_shared>>
      tpu.wait_indirect_dma semaphore(%arg9 : memref<!tpu.dma_semaphore, #tpu.memory_space<semaphore_mem>>) src(%dma_wait3A_187 : memref<4000x128xf32, #tpu.memory_space<vmem_shared>>) dst(%dma_wait3A_181 : memref<128x128xf32, #tpu.memory_space<vmem>>)
      %add3A_188 = arith.constant 128 : i32
      %add3A_189 = arith.addi %add3A_72, %add3A_188 : i32
      %dma_start3A_190 = arith.constant 1 : i32
      %dma_start3A_191 = arith.constant 0 : i32
      %dma_start3A_192 = arith.constant 0 : i32
      %dma_start3A_193 = tpu.memref_slice %arg7[%dma_start3A_190, %dma_start3A_191, %dma_start3A_192] : memref<4x128x128xf32, #tpu.memory_space<vmem>> -> memref<1x128x128xf32, #tpu.memory_space<vmem>>
      %dma_start3A_194 = tpu.memref_squeeze %dma_start3A_193 : memref<1x128x128xf32, #tpu.memory_space<vmem>> -> memref<128x128xf32, #tpu.memory_space<vmem>>
      %dma_start3A_195 = arith.constant 0 : i32
      %dma_start3A_196 = tpu.memref_slice %arg4[%add3A_189, %dma_start3A_195] : memref<819200x128xf32, #tpu.memory_space<hbm>> -> memref<128x128xf32, #tpu.memory_space<hbm>>
      %dma_start3A_197 = arith.constant 0 : i32
      %dma_start3A_198 = tpu.memref_slice %arg4[%add3A_189, %dma_start3A_197] : memref<819200x128xf32, #tpu.memory_space<hbm>> -> memref<128x128xf32, #tpu.memory_space<hbm>>
      %dma_start3A_199 = arith.constant 0 : i32
      %dma_start3A_200 = arith.constant 0 : i32
      %dma_start3A_201 = tpu.memref_slice %arg7[%dma_start3A_190, %dma_start3A_199, %dma_start3A_200] : memref<4x128x128xf32, #tpu.memory_space<vmem>> -> memref<1x128x128xf32, #tpu.memory_space<vmem>>
      %dma_start3A_202 = tpu.memref_squeeze %dma_start3A_201 : memref<1x128x128xf32, #tpu.memory_space<vmem>> -> memref<128x128xf32, #tpu.memory_space<vmem>>
      tpu.enqueue_dma source(%dma_start3A_202 : memref<128x128xf32, #tpu.memory_space<vmem>>) target(%dma_start3A_198 : memref<128x128xf32, #tpu.memory_space<hbm>>) target_semaphore(%arg13 : memref<!tpu.dma_semaphore, #tpu.memory_space<semaphore_mem>>)
      %dma_wait3A_203 = arith.constant 2 : i32
      %dma_wait3A_204 = arith.constant 0 : i32
      %dma_wait3A_205 = arith.constant 0 : i32
      %dma_wait3A_206 = tpu.memref_slice %arg7[%dma_wait3A_203, %dma_wait3A_204, %dma_wait3A_205] : memref<4x128x128xf32, #tpu.memory_space<vmem>> -> memref<1x128x128xf32, #tpu.memory_space<vmem>>
      %dma_wait3A_207 = tpu.memref_squeeze %dma_wait3A_206 : memref<1x128x128xf32, #tpu.memory_space<vmem>> -> memref<128x128xf32, #tpu.memory_space<vmem>>
      %dma_wait3A_208 = arith.constant 0 : i32
      %dma_wait3A_209 = tpu.memref_slice %arg6[%add3A_119, %dma_wait3A_208] : memref<200x128xi32, #tpu.memory_space<vmem>> -> memref<1x128xi32, #tpu.memory_space<vmem>>
      %dma_wait3A_210 = tpu.memref_squeeze %dma_wait3A_209 : memref<1x128xi32, #tpu.memory_space<vmem>> -> memref<128xi32, #tpu.memory_space<vmem>>
      %dma_wait3A_211 = arith.constant 0 : i32
      %dma_wait3A_212 = arith.constant 0 : i32
      %dma_wait3A_213 = tpu.memref_slice %arg5[%dma_wait3A_211, %dma_wait3A_212] : memref<4000x128xf32, #tpu.memory_space<vmem_shared>> -> memref<4000x128xf32, #tpu.memory_space<vmem_shared>>
      tpu.wait_indirect_dma semaphore(%arg10 : memref<!tpu.dma_semaphore, #tpu.memory_space<semaphore_mem>>) src(%dma_wait3A_213 : memref<4000x128xf32, #tpu.memory_space<vmem_shared>>) dst(%dma_wait3A_207 : memref<128x128xf32, #tpu.memory_space<vmem>>)
      %add3A_214 = arith.constant 256 : i32
      %add3A_215 = arith.addi %add3A_72, %add3A_214 : i32
      %dma_start3A_216 = arith.constant 2 : i32
      %dma_start3A_217 = arith.constant 0 : i32
      %dma_start3A_218 = arith.constant 0 : i32
      %dma_start3A_219 = tpu.memref_slice %arg7[%dma_start3A_216, %dma_start3A_217, %dma_start3A_218] : memref<4x128x128xf32, #tpu.memory_space<vmem>> -> memref<1x128x128xf32, #tpu.memory_space<vmem>>
      %dma_start3A_220 = tpu.memref_squeeze %dma_start3A_219 : memref<1x128x128xf32, #tpu.memory_space<vmem>> -> memref<128x128xf32, #tpu.memory_space<vmem>>
      %dma_start3A_221 = arith.constant 0 : i32
      %dma_start3A_222 = tpu.memref_slice %arg4[%add3A_215, %dma_start3A_221] : memref<819200x128xf32, #tpu.memory_space<hbm>> -> memref<128x128xf32, #tpu.memory_space<hbm>>
      %dma_start3A_223 = arith.constant 0 : i32
      %dma_start3A_224 = tpu.memref_slice %arg4[%add3A_215, %dma_start3A_223] : memref<819200x128xf32, #tpu.memory_space<hbm>> -> memref<128x128xf32, #tpu.memory_space<hbm>>
      %dma_start3A_225 = arith.constant 0 : i32
      %dma_start3A_226 = arith.constant 0 : i32
      %dma_start3A_227 = tpu.memref_slice %arg7[%dma_start3A_216, %dma_start3A_225, %dma_start3A_226] : memref<4x128x128xf32, #tpu.memory_space<vmem>> -> memref<1x128x128xf32, #tpu.memory_space<vmem>>
      %dma_start3A_228 = tpu.memref_squeeze %dma_start3A_227 : memref<1x128x128xf32, #tpu.memory_space<vmem>> -> memref<128x128xf32, #tpu.memory_space<vmem>>
      tpu.enqueue_dma source(%dma_start3A_228 : memref<128x128xf32, #tpu.memory_space<vmem>>) target(%dma_start3A_224 : memref<128x128xf32, #tpu.memory_space<hbm>>) target_semaphore(%arg14 : memref<!tpu.dma_semaphore, #tpu.memory_space<semaphore_mem>>)
      %dma_wait3A_229 = arith.constant 3 : i32
      %dma_wait3A_230 = arith.constant 0 : i32
      %dma_wait3A_231 = arith.constant 0 : i32
      %dma_wait3A_232 = tpu.memref_slice %arg7[%dma_wait3A_229, %dma_wait3A_230, %dma_wait3A_231] : memref<4x128x128xf32, #tpu.memory_space<vmem>> -> memref<1x128x128xf32, #tpu.memory_space<vmem>>
      %dma_wait3A_233 = tpu.memref_squeeze %dma_wait3A_232 : memref<1x128x128xf32, #tpu.memory_space<vmem>> -> memref<128x128xf32, #tpu.memory_space<vmem>>
      %dma_wait3A_234 = arith.constant 0 : i32
      %dma_wait3A_235 = tpu.memref_slice %arg6[%add3A_139, %dma_wait3A_234] : memref<200x128xi32, #tpu.memory_space<vmem>> -> memref<1x128xi32, #tpu.memory_space<vmem>>
      %dma_wait3A_236 = tpu.memref_squeeze %dma_wait3A_235 : memref<1x128xi32, #tpu.memory_space<vmem>> -> memref<128xi32, #tpu.memory_space<vmem>>
      %dma_wait3A_237 = arith.constant 0 : i32
      %dma_wait3A_238 = arith.constant 0 : i32
      %dma_wait3A_239 = tpu.memref_slice %arg5[%dma_wait3A_237, %dma_wait3A_238] : memref<4000x128xf32, #tpu.memory_space<vmem_shared>> -> memref<4000x128xf32, #tpu.memory_space<vmem_shared>>
      tpu.wait_indirect_dma semaphore(%arg11 : memref<!tpu.dma_semaphore, #tpu.memory_space<semaphore_mem>>) src(%dma_wait3A_239 : memref<4000x128xf32, #tpu.memory_space<vmem_shared>>) dst(%dma_wait3A_233 : memref<128x128xf32, #tpu.memory_space<vmem>>)
      %add3A_240 = arith.constant 384 : i32
      %add3A_241 = arith.addi %add3A_72, %add3A_240 : i32
      %dma_start3A_242 = arith.constant 3 : i32
      %dma_start3A_243 = arith.constant 0 : i32
      %dma_start3A_244 = arith.constant 0 : i32
      %dma_start3A_245 = tpu.memref_slice %arg7[%dma_start3A_242, %dma_start3A_243, %dma_start3A_244] : memref<4x128x128xf32, #tpu.memory_space<vmem>> -> memref<1x128x128xf32, #tpu.memory_space<vmem>>
      %dma_start3A_246 = tpu.memref_squeeze %dma_start3A_245 : memref<1x128x128xf32, #tpu.memory_space<vmem>> -> memref<128x128xf32, #tpu.memory_space<vmem>>
      %dma_start3A_247 = arith.constant 0 : i32
      %dma_start3A_248 = tpu.memref_slice %arg4[%add3A_241, %dma_start3A_247] : memref<819200x128xf32, #tpu.memory_space<hbm>> -> memref<128x128xf32, #tpu.memory_space<hbm>>
      %dma_start3A_249 = arith.constant 0 : i32
      %dma_start3A_250 = tpu.memref_slice %arg4[%add3A_241, %dma_start3A_249] : memref<819200x128xf32, #tpu.memory_space<hbm>> -> memref<128x128xf32, #tpu.memory_space<hbm>>
      %dma_start3A_251 = arith.constant 0 : i32
      %dma_start3A_252 = arith.constant 0 : i32
      %dma_start3A_253 = tpu.memref_slice %arg7[%dma_start3A_242, %dma_start3A_251, %dma_start3A_252] : memref<4x128x128xf32, #tpu.memory_space<vmem>> -> memref<1x128x128xf32, #tpu.memory_space<vmem>>
      %dma_start3A_254 = tpu.memref_squeeze %dma_start3A_253 : memref<1x128x128xf32, #tpu.memory_space<vmem>> -> memref<128x128xf32, #tpu.memory_space<vmem>>
      tpu.enqueue_dma source(%dma_start3A_254 : memref<128x128xf32, #tpu.memory_space<vmem>>) target(%dma_start3A_250 : memref<128x128xf32, #tpu.memory_space<hbm>>) target_semaphore(%arg15 : memref<!tpu.dma_semaphore, #tpu.memory_space<semaphore_mem>>)
    }
    %scan3A_9 = arith.constant 50 : i32
    %add3A_10 = arith.constant 0 : i32
    %add3A_11 = arith.addi %mul3A_2, %add3A_10 : i32
    %dma_wait3A = arith.constant 0 : i32
    %dma_wait3A_12 = arith.constant 0 : i32
    %dma_wait3A_13 = arith.constant 0 : i32
    %dma_wait3A_14 = tpu.memref_slice %arg7[%dma_wait3A, %dma_wait3A_12, %dma_wait3A_13] : memref<4x128x128xf32, #tpu.memory_space<vmem>> -> memref<1x128x128xf32, #tpu.memory_space<vmem>>
    %dma_wait3A_15 = tpu.memref_squeeze %dma_wait3A_14 : memref<1x128x128xf32, #tpu.memory_space<vmem>> -> memref<128x128xf32, #tpu.memory_space<vmem>>
    %dma_wait3A_16 = arith.constant 0 : i32
    %dma_wait3A_17 = tpu.memref_slice %arg4[%add3A_11, %dma_wait3A_16] : memref<819200x128xf32, #tpu.memory_space<hbm>> -> memref<128x128xf32, #tpu.memory_space<hbm>>
    %dma_wait3A_18 = arith.constant 0 : i32
    %dma_wait3A_19 = tpu.memref_slice %arg4[%add3A_11, %dma_wait3A_18] : memref<819200x128xf32, #tpu.memory_space<hbm>> -> memref<128x128xf32, #tpu.memory_space<hbm>>
    %dma_wait3A_20 = arith.constant 0 : i32
    %dma_wait3A_21 = arith.constant 0 : i32
    %dma_wait3A_22 = tpu.memref_slice %arg7[%dma_wait3A, %dma_wait3A_20, %dma_wait3A_21] : memref<4x128x128xf32, #tpu.memory_space<vmem>> -> memref<1x128x128xf32, #tpu.memory_space<vmem>>
    %dma_wait3A_23 = tpu.memref_squeeze %dma_wait3A_22 : memref<1x128x128xf32, #tpu.memory_space<vmem>> -> memref<128x128xf32, #tpu.memory_space<vmem>>
    tpu.wait_dma2 semaphore(%arg12 : memref<!tpu.dma_semaphore, #tpu.memory_space<semaphore_mem>>) src(%dma_wait3A_23 : memref<128x128xf32, #tpu.memory_space<vmem>>) dst(%dma_wait3A_19 : memref<128x128xf32, #tpu.memory_space<hbm>>)
    %add3A_24 = arith.constant 128 : i32
    %add3A_25 = arith.addi %mul3A_2, %add3A_24 : i32
    %dma_wait3A_26 = arith.constant 1 : i32
    %dma_wait3A_27 = arith.constant 0 : i32
    %dma_wait3A_28 = arith.constant 0 : i32
    %dma_wait3A_29 = tpu.memref_slice %arg7[%dma_wait3A_26, %dma_wait3A_27, %dma_wait3A_28] : memref<4x128x128xf32, #tpu.memory_space<vmem>> -> memref<1x128x128xf32, #tpu.memory_space<vmem>>
    %dma_wait3A_30 = tpu.memref_squeeze %dma_wait3A_29 : memref<1x128x128xf32, #tpu.memory_space<vmem>> -> memref<128x128xf32, #tpu.memory_space<vmem>>
    %dma_wait3A_31 = arith.constant 0 : i32
    %dma_wait3A_32 = tpu.memref_slice %arg4[%add3A_25, %dma_wait3A_31] : memref<819200x128xf32, #tpu.memory_space<hbm>> -> memref<128x128xf32, #tpu.memory_space<hbm>>
    %dma_wait3A_33 = arith.constant 0 : i32
    %dma_wait3A_34 = tpu.memref_slice %arg4[%add3A_25, %dma_wait3A_33] : memref<819200x128xf32, #tpu.memory_space<hbm>> -> memref<128x128xf32, #tpu.memory_space<hbm>>
    %dma_wait3A_35 = arith.constant 0 : i32
    %dma_wait3A_36 = arith.constant 0 : i32
    %dma_wait3A_37 = tpu.memref_slice %arg7[%dma_wait3A_26, %dma_wait3A_35, %dma_wait3A_36] : memref<4x128x128xf32, #tpu.memory_space<vmem>> -> memref<1x128x128xf32, #tpu.memory_space<vmem>>
    %dma_wait3A_38 = tpu.memref_squeeze %dma_wait3A_37 : memref<1x128x128xf32, #tpu.memory_space<vmem>> -> memref<128x128xf32, #tpu.memory_space<vmem>>
    tpu.wait_dma2 semaphore(%arg13 : memref<!tpu.dma_semaphore, #tpu.memory_space<semaphore_mem>>) src(%dma_wait3A_38 : memref<128x128xf32, #tpu.memory_space<vmem>>) dst(%dma_wait3A_34 : memref<128x128xf32, #tpu.memory_space<hbm>>)
    %add3A_39 = arith.constant 256 : i32
    %add3A_40 = arith.addi %mul3A_2, %add3A_39 : i32
    %dma_wait3A_41 = arith.constant 2 : i32
    %dma_wait3A_42 = arith.constant 0 : i32
    %dma_wait3A_43 = arith.constant 0 : i32
    %dma_wait3A_44 = tpu.memref_slice %arg7[%dma_wait3A_41, %dma_wait3A_42, %dma_wait3A_43] : memref<4x128x128xf32, #tpu.memory_space<vmem>> -> memref<1x128x128xf32, #tpu.memory_space<vmem>>
    %dma_wait3A_45 = tpu.memref_squeeze %dma_wait3A_44 : memref<1x128x128xf32, #tpu.memory_space<vmem>> -> memref<128x128xf32, #tpu.memory_space<vmem>>
    %dma_wait3A_46 = arith.constant 0 : i32
    %dma_wait3A_47 = tpu.memref_slice %arg4[%add3A_40, %dma_wait3A_46] : memref<819200x128xf32, #tpu.memory_space<hbm>> -> memref<128x128xf32, #tpu.memory_space<hbm>>
    %dma_wait3A_48 = arith.constant 0 : i32
    %dma_wait3A_49 = tpu.memref_slice %arg4[%add3A_40, %dma_wait3A_48] : memref<819200x128xf32, #tpu.memory_space<hbm>> -> memref<128x128xf32, #tpu.memory_space<hbm>>
    %dma_wait3A_50 = arith.constant 0 : i32
    %dma_wait3A_51 = arith.constant 0 : i32
    %dma_wait3A_52 = tpu.memref_slice %arg7[%dma_wait3A_41, %dma_wait3A_50, %dma_wait3A_51] : memref<4x128x128xf32, #tpu.memory_space<vmem>> -> memref<1x128x128xf32, #tpu.memory_space<vmem>>
    %dma_wait3A_53 = tpu.memref_squeeze %dma_wait3A_52 : memref<1x128x128xf32, #tpu.memory_space<vmem>> -> memref<128x128xf32, #tpu.memory_space<vmem>>
    tpu.wait_dma2 semaphore(%arg14 : memref<!tpu.dma_semaphore, #tpu.memory_space<semaphore_mem>>) src(%dma_wait3A_53 : memref<128x128xf32, #tpu.memory_space<vmem>>) dst(%dma_wait3A_49 : memref<128x128xf32, #tpu.memory_space<hbm>>)
    %add3A_54 = arith.constant 384 : i32
    %add3A_55 = arith.addi %mul3A_2, %add3A_54 : i32
    %dma_wait3A_56 = arith.constant 3 : i32
    %dma_wait3A_57 = arith.constant 0 : i32
    %dma_wait3A_58 = arith.constant 0 : i32
    %dma_wait3A_59 = tpu.memref_slice %arg7[%dma_wait3A_56, %dma_wait3A_57, %dma_wait3A_58] : memref<4x128x128xf32, #tpu.memory_space<vmem>> -> memref<1x128x128xf32, #tpu.memory_space<vmem>>
    %dma_wait3A_60 = tpu.memref_squeeze %dma_wait3A_59 : memref<1x128x128xf32, #tpu.memory_space<vmem>> -> memref<128x128xf32, #tpu.memory_space<vmem>>
    %dma_wait3A_61 = arith.constant 0 : i32
    %dma_wait3A_62 = tpu.memref_slice %arg4[%add3A_55, %dma_wait3A_61] : memref<819200x128xf32, #tpu.memory_space<hbm>> -> memref<128x128xf32, #tpu.memory_space<hbm>>
    %dma_wait3A_63 = arith.constant 0 : i32
    %dma_wait3A_64 = tpu.memref_slice %arg4[%add3A_55, %dma_wait3A_63] : memref<819200x128xf32, #tpu.memory_space<hbm>> -> memref<128x128xf32, #tpu.memory_space<hbm>>
    %dma_wait3A_65 = arith.constant 0 : i32
    %dma_wait3A_66 = arith.constant 0 : i32
    %dma_wait3A_67 = tpu.memref_slice %arg7[%dma_wait3A_56, %dma_wait3A_65, %dma_wait3A_66] : memref<4x128x128xf32, #tpu.memory_space<vmem>> -> memref<1x128x128xf32, #tpu.memory_space<vmem>>
    %dma_wait3A_68 = tpu.memref_squeeze %dma_wait3A_67 : memref<1x128x128xf32, #tpu.memory_space<vmem>> -> memref<128x128xf32, #tpu.memory_space<vmem>>
    tpu.wait_dma2 semaphore(%arg15 : memref<!tpu.dma_semaphore, #tpu.memory_space<semaphore_mem>>) src(%dma_wait3A_68 : memref<128x128xf32, #tpu.memory_space<vmem>>) dst(%dma_wait3A_64 : memref<128x128xf32, #tpu.memory_space<hbm>>)
    return
  }
}

</mosaic_0001>

<sc_bundles>
// kernel: kernel.3.cloned.1.call-start
scs
__scs_entry_jumppad:
0x0: {  	(pc) =	sbr.rel $0x88, $3  }
0x1: {  	(tag) =	ssettag $0x0;
	lr =	simm.s32 $0x1  }
0x2: {  	[smem:$0x3F9F] =	sst lr;
	_ =	strace $0xD0000000  }
0x3: {  	_ = 	snop  }
0x4: {  	_ = 	snop  }
0x5: {  	_ = 	snop  }
0x6: {  	_ = 	snop  }
0x7: {  	_ = 	snop  }
__scs_overlays_trampoline_lowered:
0x8: {  	[smem:$0x3FAE] =	sst s0  }
0x9: {  	[smem:$0x3FAF] =	sst s1  }
0xa: {  	[smem:$0x3FB0] =	sst s2  }
0xb: {  	[smem:$0x3FB1] =	sst s3  }
0xc: {  	[smem:$0x3FB2] =	sst s4  }
0xd: {  	[smem:$0x3FB3] =	sst s5  }
0xe: {  	[smem:$0x3FB4] =	sst s6  }
0xf: {  	[smem:$0x3FB5] =	sst s7  }
0x10: {  	[smem:$0x3FB6] =	sst s8  }
0x11: {  	[smem:$0x3FB7] =	sst s9;
	s0 =	simm.s32 @!p0 $0x0  }
0x12: {  	s1 =	sld [smem:$0x3F9D];
	s0 =	simm.s32 @p0 $0x1  }
0x13: {  	[smem:$0x3FB8] =	sst s0;
	s0 =	simm.s32 @!p1 $0x0  }
0x14: {  	s2 =	sld [smem:$0x3F9C];
	s0 =	simm.s32 @p1 $0x1  }
0x15: {  	[smem:$0x3FB9] =	sst s0;
	s0 =	simm.s32 @!p2 $0x0  }
0x16: {  	s3 =	sld [smem:$0x3FDB];
	s0 =	simm.s32 @p2 $0x1  }
0x17: {  	s4 =	simm.s32 $0x1BF5;
	[smem:$0x3FBB] =	sst s0  }
0x18: {  	s0 =	sld [smem:$0x3F9E];
	_ =	swait.ge [sflag:s4], $0x0  }
0x19: {  	s7 =	sld [smem:$0x3F9F]  }
0x1a: {  	s8 =	sadd.s32 $0xFFFFE003, lr  }
0x1b: {  	s9 =	sadd.s32 $0xFFFFFEF7, lr;
	s5 =	simm.s32 $0xFFFFFFFF;
	p2 =	slt.u32 s8, $0xFFFFF086  }
0x1c: {  	p1 =	slt.u32 s9, $0xF7A;
	s5 =	simm.s32 @!p2 $0x0  }
0x1d: {  	s5 =	simm.s32 @p1 $0x1;
	p0 =	seq.s32 s7, s2  }
0x1e: {  	s7 =	smul.u32 @!p0 $0xF7A, s2;
	p2 =	seq.s32 @!p0 s5, $0x0  }
0x1f: {  	s9 =	smul.u32 $0xF7A, s1;
	s8 =	simm.s32 @!p0 $0x1BF5;
	p2 =	por !p2, p0  }
0x20: {  	[sflag:s8] =	ssyncset.s32 @!p0 $0xFFFFF086;
	s6 =	sadd.s32 @!p0 s3, s7;
	s7 =	simm.s32 @!p0 $0x108  }
0x21: {  	s3 =	sadd.s32 s3, s9;
	s6 =	sadd.s32 @!p0 $0x88, s6;
	s7 =	simm.s32 @p2 $0x1082  }
0x22: {  	[simem:s7], [sflag:s8] =	dma.local @!p0 [hbm:s6], $0xF7A  }
0x23: {  	s9 =	sor.u32 $0xD0000000, s2;
	s6 =	simm.s32 $0x108;
	_ =	swait.ge @!p0 [sflag:s8], $0x0  }
0x24: {  	s3 =	sadd.s32 $0x88, s3;
	s6 =	simm.s32 @!p1 $0x1082;
	[sflag:s4] =	ssyncset.s32 $0xFFFFF086  }
0x25: {  	[simem:s6], [sflag:s4] =	dma.local [hbm:s3], $0xF7A  }
0x26: {  	[smem:$0x3F9F] =	sst s1;
	(tag) =	ssettag s2;
	_ =	strace s9  }
0x27: {  	s1 =	sld [smem:$0x3FAF]  }
0x28: {  	s2 =	sld [smem:$0x3FB0]  }
0x29: {  	s4 =	sld [smem:$0x3FB2]  }
0x2a: {  	p0 =	seq.s32 s5, $0x0;
	s5 =	sld [smem:$0x3FB3]  }
0x2b: {  	s6 =	sld [smem:$0x3FB4]  }
0x2c: {  	s7 =	sld [smem:$0x3FB5]  }
0x2d: {  	s3 =	simm.s32 $0x108;
	s8 =	sld [smem:$0x3FB6]  }
0x2e: {  	s3 =	simm.s32 @!p0 $0x1082;
	s9 =	sld [smem:$0x3FB7]  }
0x2f: {  	lr =	sadd.s32 s0, s3;
	s0 =	sld [smem:$0x3FAE]  }
0x30: {  	s3 =	sld [smem:$0x3FB1]  }
0x31: {  	[smem:$0x3FBA] =	sst s10  }
0x32: {  	s10 =	sld [smem:$0x3FB8];
	_ =	sdelay $0x3  }
0x33: {  	p0 =	seq.s32 s10, $0x1;
	s10 =	sld [smem:$0x3FBA];
	_ =	sdelay $0x3  }
0x34: {  	[smem:$0x3FBA] =	sst s10  }
0x35: {  	s10 =	sld [smem:$0x3FB9];
	_ =	sdelay $0x3  }
0x36: {  	p1 =	seq.s32 s10, $0x1;
	s10 =	sld [smem:$0x3FBA];
	_ =	sdelay $0x3  }
0x37: {  	[smem:$0x3FBA] =	sst s10  }
0x38: {  	s10 =	sld [smem:$0x3FBB]  }
0x39: {  	_ = 	snop;
	(pc) =	sbr.ind lr, $3  }
0x3a: {  	_ = 	snop  }
0x3b: {  	_ = 	snop  }
0x3c: {  	p2 =	seq.s32 s10, $0x1;
	s10 =	sld [smem:$0x3FBA]  }
0x3d: {  	_ =	shalt  }
0x3e: {  	_ =	shalt  }
0x3f: {  	_ =	shalt  }
0x40: {  	_ =	shalt  }
0x41: {  	_ =	shalt  }
0x42: {  	_ =	shalt  }
0x43: {  	_ =	shalt  }
0x44: {  	_ =	shalt  }
0x45: {  	_ =	shalt  }
0x46: {  	_ =	shalt  }
0x47: {  	_ =	shalt  }
0x48: {  	_ =	shalt  }
0x49: {  	_ =	shalt  }
0x4a: {  	_ =	shalt  }
0x4b: {  	_ =	shalt  }
0x4c: {  	_ =	shalt  }
0x4d: {  	_ =	shalt  }
0x4e: {  	_ =	shalt  }
0x4f: {  	_ =	shalt  }
0x50: {  	_ =	shalt  }
0x51: {  	_ =	shalt  }
0x52: {  	_ =	shalt  }
0x53: {  	_ =	shalt  }
0x54: {  	_ =	shalt  }
0x55: {  	_ =	shalt  }
0x56: {  	_ =	shalt  }
0x57: {  	_ =	shalt  }
0x58: {  	_ =	shalt  }
0x59: {  	_ =	shalt  }
0x5a: {  	_ =	shalt  }
0x5b: {  	_ =	shalt  }
0x5c: {  	_ =	shalt  }
0x5d: {  	_ =	shalt  }
0x5e: {  	_ =	shalt  }
0x5f: {  	_ =	shalt  }
0x60: {  	_ =	shalt  }
0x61: {  	_ =	shalt  }
0x62: {  	_ =	shalt  }
0x63: {  	_ =	shalt  }
0x64: {  	_ =	shalt  }
0x65: {  	_ =	shalt  }
0x66: {  	_ =	shalt  }
0x67: {  	_ =	shalt  }
0x68: {  	_ =	shalt  }
0x69: {  	_ =	shalt  }
0x6a: {  	_ =	shalt  }
0x6b: {  	_ =	shalt  }
0x6c: {  	_ =	shalt  }
0x6d: {  	_ =	shalt  }
0x6e: {  	_ =	shalt  }
0x6f: {  	_ =	shalt  }
0x70: {  	_ =	shalt  }
0x71: {  	_ =	shalt  }
0x72: {  	_ =	shalt  }
0x73: {  	_ =	shalt  }
0x74: {  	_ =	shalt  }
0x75: {  	_ =	shalt  }
0x76: {  	_ =	shalt  }
0x77: {  	_ =	shalt  }
0x78: {  	_ =	shalt  }
0x79: {  	_ =	shalt  }
0x7a: {  	_ =	shalt  }
0x7b: {  	_ =	shalt  }
0x7c: {  	_ =	shalt  }
0x7d: {  	_ =	shalt  }
0x7e: {  	_ =	shalt  }
0x7f: {  	_ =	shalt  }
0x80: {  	_ =	shalt  }
0x81: {  	_ =	shalt  }
0x82: {  	_ =	shalt  }
0x83: {  	_ =	shalt  }
0x84: {  	_ =	shalt  }
0x85: {  	_ =	shalt  }
0x86: {  	_ =	shalt  }
0x87: {  	_ =	shalt  }
.Lfunc_end0:
.L_simem_size_0:
called_computation_lowered:
.L_overlay_start_0:
0x88: {  	s2 =	sld [smem:$0x3FD9]  }
0x89: {  	s3 =	sld [smem:$0x3FFE];
	_ =	sdelay $0x1  }
0x8a: {  	s1 =	srdreg.scid  }
0x8b: {  	s0 =	sand.u32 $0x1, s1  }
0x8c: {  	s17 =	sshll.u32 s0, $0xA;
	s2 =	sadd.s32 s3, s2  }
0x8d: {  	s2 =	sadd.s32 s2, s17  }
0x8e: {  	[smem:$0x3FC6] =	sst s2  }
0x8f: {  	_ = 	snop  }
0x90: {  	s2 =	sld [smem:$0x3FC9]  }
0x91: {  	s18 =	sld [smem:$0x3FD0];
	(tm) =	ssettm $0x1  }
0x92: {  	s4 =	sld [smem:$0x3FFB];
	_ =	sdelay $0x3  }
0x93: {  	_ =	strace s4  }
0x94: {  	s4 =	sld [smem:$0x3FFC];
	_ =	sdelay $0x3  }
0x95: {  	_ =	strace s4  }
0x96: {  	s4 =	sld [smem:$0x3FFD];
	_ =	sdelay $0x3  }
0x97: {  	_ =	strace s4  }
0x98: {  	_ =	strace $0x8FFFFFFF  }
0x99: {  	s19 =	sld [smem:$0x3FDB];
	_ =	sdelay $0x1  }
0x9a: {  	s5 =	simm.s32 $_scs_section_size  }
0x9b: {  	s6 =	simm.s32 $_size__tile_overlayer_lowered;
	s7 =	simm.s32 $_tile_overlayer_lowered  }
0x9c: {  	s22 =	simm.s32 $0x1BFF;
	s21 =	sshll.u32 s7, $0x1;
	s4 =	sadd.s32 s5, s19  }
0x9d: {  	s8 =	simm.s32 $0x0;
	s20 =	sshll.u32 s6, $0x1;
	s6 =	sadd.s32 s21, s4  }
0x9e: {  	[timem:s8], [sflag:s22] =	dma.local [hbm:s6], s20  }
0x9f: {  	_ =	swait.ge [sflag:s22], s20  }
0xa0: {  	s5 =	ssub.s32 $0x0, s20;
	[sflag:s22] =	ssyncset.done $0x0  }
0xa1: {  	[sflag:s22] =	ssyncadd.s32 s5;
	_ =	sdelay $0x1  }
0xa2: {  	s23 =	simm.s32 $0x1B8B  }
0xa3: {  	_ =	swait.ge [sflag:s23], $0x1  }
0xa4: {  	[sflag:s23] =	ssyncset.done $0x0  }
0xa5: {  	s25 =	simm.s32 $0x1B8E;
	s24 =	sld [smem:$0x3FFE];
	[sflag:s23] =	ssyncadd.s32 $0xFFFFFFFF  }
0xa6: {  	s26 =	simm.s32 $execute0_lowered;
	[smem:$0x3FD2] =	sst s25  }
0xa7: {  	s6 =	sshll.u32 s26, $0x1;
	_ =	strace $0x80000046;
	[dreg:$0x1] =	wrdreg $0xFFFFFFFF  }
0xa8: {  	s28 =	simm.s32 $_size_execute0_lowered;
	s4 =	sadd.s32 s4, s6;
	[dreg:$0x0] =	wrdreg $0x0  }
0xa9: {  	s6 =	sshll.u32 s28, $0x1;
	[dreg:$0x2] =	wrdreg s4  }
0xaa: {  	[dreg:$0x3] =	wrdreg s6  }
0xab: {  	[dreg:$0x4] =	wrdreg $0xC0  }
0xac: {  	_ =	task [dreg:s8], $0x5FFFF  }
0xad: {  	[dreg:$0x1] =	wrdreg $0xFFFFFFFF  }
0xae: {  	[dreg:$0x0] =	wrdreg $0x60  }
0xaf: {  	[dreg:$0x2] =	wrdreg s2  }
0xb0: {  	[dreg:$0x3] =	wrdreg s24  }
0xb1: {  	[dreg:$0x4] =	wrdreg s18  }
0xb2: {  	[dreg:$0x5] =	wrdreg $0x0  }
0xb3: {  	[dreg:$0x6] =	wrdreg $0x9  }
0xb4: {  	_ =	task.clear_ibuf [dreg:s8], $0x7FFFF;
	_ =	strace $0x90000046  }
0xb5: {  	s29 =	simm.s32 $0x9;
	_ =	strace $0x80000048  }
0xb6: {  	_ =	swait.ge [sflag:s29], $0x1  }
0xb7: {  	[sflag:s29] =	ssyncadd.s32 $0xFFFFFFFF  }
0xb8: {  	_ =	strace $0x90000048  }
0xb9: {  	_ =	sfence  }
0xba: {  	s30 =	sld [smem:$0x0];
	_ =	sdelay $0x2  }
0xbb: {  	s31 =	sshll.u32 s1, $0xD;
	s1 =	sshrl.u32 s1, $0x2  }
0xbc: {  	s3 =	sand.u32 $0x4000, s31;
	s1 =	sadd.s32 s1, s30  }
0xbd: {  	s0 =	sor.u32 s3, s0;
	s1 =	sshll.u32 s1, $0x11  }
0xbe: {  	s0 =	sor.u32 s1, s0  }
0xbf: {  	s0 =	sadd.s32 $0x8F2B, s0  }
0xc0: {  	[sflag:s0] =	ssyncadd.remote.s32 $0x1  }
0xc1: {  	_ =	sfence.sel $0xFFFF  }
0xc2: {  	[dreg:$0x0] =	wrdreg $0xFFFFFFFF;
	(pc) =	sbr.abs _section_cstart, $3  }
0xc3: {  	[dreg:$0x1] =	wrdreg $0xFFFFFFFF  }
0xc4: {  	_ =	task.clear_ibuf [dreg:s8], $0x2FFFF;
	_ =	strace $0x9FFFFFFF  }
0xc5: {  	(tm) =	ssettm $0x7FFFFFFF  }
tec
execute0_lowered:
.L_overlay_start_1:
0x0: {  	(tag) =	ssettag $0x1  }
0x1: {  	s0 =	rddreg [dreg:$0x1]  }
0x2: {  	s1 =	rddreg [dreg:$0x2]  }
0x3: {  	s3 =	srdreg.scid;
	s10 =	stileid.u32  }
0x4: {  	s2 =	rddreg [dreg:$0x3];
	s12 =	simm.s32 $0x7D00;
	s13 =	simm.s32 $0x9  }
0x5: {  	s14 =	simm.s32 $0x80;
	s15 =	simm.s32 $0xE100;
	s17 =	simm.s32 $0x12100  }
0x6: {  	s19 =	simm.s32 $0x16100;
	s21 =	simm.s32 $0x1A100;
	s22 =	simm.s32 $0x1  }
0x7: {  	s23 =	simm.s32 $0x2;
	s24 =	simm.s32 $0x3;
	s28 =	simm.s32 $0x6  }
0x8: {  	s29 =	simm.s32 $0x7;
	s30 =	simm.s32 $0x8;
	s31 =	simm.s32 $0x0  }
0x9: {  	s7 =	sand.u32 $0x1, s3;
	s4 =	sshll.u32 s10, $0x1;
	s26 =	smul.u32 $0xC8000, s10  }
0xa: {  	s3 =	simm.s32 $0x0;
	s4 =	sor.u32 s7, s4;
	s11 =	smul.u32 $0x64000, s7  }
0xb: {  	p0 =	sne.s32 s10, $0x0;
	s6 =	ssub.s32 $0x2, s7;
	s5 =	smul.u32 $0xC80, s4  }
0xc: {  	[smem:$0x7FF] =	sst s3;
	s25 =	sshrl.u32 s6, $0x1;
	s8 =	smul.u32 $0x64000, s4  }
0xd: {  	_ =	strace $0x80000047;
	s0 =	sadd.s32 s5, s0;
	s5 =	ssub.s32 s6, s25  }
0xe: {  	s6 =	sadd.s32 s1, s8;
	s25 =	simm.s32 $0x4;
	s4 =	sadd.s32 $0x400, s0  }
0xf: {  	s5 =	smax.u32 s5, $0x1;
	s7 =	sadd.s32 $0x800, s6;
	s0 =	sadd.s32 s26, s1  }
0x10: {  	s8 =	sadd.s32 $0x1000, s6;
	s9 =	sadd.s32 $0x1800, s6;
	s0 =	sadd.s32 s11, s0  }
0x11: {  	s26 =	simm.s32 $0x5;
	s11 =	sshrl.u32 @!p0 s2, $0x3;
	s16 =	sadd.s32 $0x3800, s0  }
.LBB2_1:
0x12: {  	s0 =	simm.s32 @!p0 $0x1C09;
	s1 =	rddreg [dreg:$0x0]  }
0x13: {  	[spmem:s11], [sflag:s0] =	dma.local @!p0 [hbm:s1], $0xFA00  }
0x14: {  	s0 =	simm.s32 @!p0 $0x9  }
0x15: {  	_ =	swait.ge @!p0 [sflag:s0], $0xFA00  }
0x16: {  	[sflag:s0] =	ssyncset.done @!p0 $0x0  }
0x17: {  	[sflag:s0] =	ssyncadd.s32 @!p0 $0xFFFF0600  }
0x18: {  	[tilespmem:s12], [sflag:$0x9] =	stream.linear.gather [hbm4b:s4+s3], $0x6400, $0x38;
	[tilespmem:$0x1E100] =	vst v63  }
0x19: {  	_ =	swait.ge [sflag:s13], $0x6400  }
0x1a: {  	[sflag:s13] =	ssyncset.done $0x0  }
0x1b: {  	[sflag:s13] =	ssyncadd.s32 $0xFFFF9C00  }
0x1c: {  	[bflag:$0x0] =	sbarrier.arrive $0xFFFF  }
0x1d: {  	[tilespmem:s15], [sflag:$0x1] =	stream.indirect.gather [spmem:s2], $0x80, s12, s14, $0xb8;
	[tilespmem:$0x1E100] =	vst v63  }
0x1e: {  	s18 =	simm.s32 $0x7D80  }
0x1f: {  	[tilespmem:s17], [sflag:$0x2] =	stream.indirect.gather [spmem:s2], $0x80, s18, s14, $0xb8;
	[tilespmem:$0x1E100] =	vst v63  }
0x20: {  	s20 =	simm.s32 $0x7E00  }
0x21: {  	[tilespmem:s19], [sflag:$0x3] =	stream.indirect.gather [spmem:s2], $0x80, s20, s14, $0xb8;
	[tilespmem:$0x1E100] =	vst v63  }
0x22: {  	s1 =	simm.s32 $0x7E80  }
0x23: {  	[tilespmem:s21], [sflag:$0x4] =	stream.indirect.gather [spmem:s2], $0x80, s1, s14, $0xb8;
	[tilespmem:$0x1E100] =	vst v63  }
0x24: {  	_ =	swait.ge [sflag:s22], $0x4000  }
0x25: {  	[sflag:s22] =	ssyncset.done $0x0  }
0x26: {  	[sflag:s22] =	ssyncadd.s32 $0xFFFFC000  }
0x27: {  	[hbm4b:s6+s3] =	stream.linear.scatter [tilespmem:s15], [sflag:$0x5], $0x4000, $0x38;
	[tilespmem:$0x1E100] =	vst v63  }
0x28: {  	_ =	swait.ge [sflag:s23], $0x4000  }
0x29: {  	[sflag:s23] =	ssyncset.done $0x0  }
0x2a: {  	[sflag:s23] =	ssyncadd.s32 $0xFFFFC000  }
0x2b: {  	[hbm4b:s7+s3] =	stream.linear.scatter [tilespmem:s17], [sflag:$0x6], $0x4000, $0x38;
	[tilespmem:$0x1E100] =	vst v63  }
0x2c: {  	_ =	swait.ge [sflag:s24], $0x4000  }
0x2d: {  	[sflag:s24] =	ssyncset.done $0x0  }
0x2e: {  	[sflag:s24] =	ssyncadd.s32 $0xFFFFC000  }
0x2f: {  	[hbm4b:s8+s3] =	stream.linear.scatter [tilespmem:s19], [sflag:$0x7], $0x4000, $0x38;
	[tilespmem:$0x1E100] =	vst v63  }
0x30: {  	_ =	swait.ge [sflag:s25], $0x4000  }
0x31: {  	[sflag:s25] =	ssyncset.done $0x0  }
0x32: {  	[sflag:s25] =	ssyncadd.s32 $0xFFFFC000  }
0x33: {  	[hbm4b:s9+s3] =	stream.linear.scatter [tilespmem:s21], [sflag:$0x8], $0x4000, $0x38;
	[tilespmem:$0x1E100] =	vst v63  }
0x34: {  	_ =	swait.ge [sflag:s26], $0x4000  }
0x35: {  	[sflag:s26] =	ssyncset.done $0x0  }
0x36: {  	s10 =	simm.s32 $0x7F00;
	[sflag:s26] =	ssyncadd.s32 $0xFFFFC000  }
0x37: {  	[tilespmem:s15], [sflag:$0x1] =	stream.indirect.gather [spmem:s2], $0x80, s10, s14, $0xb8;
	[tilespmem:$0x1E100] =	vst v63  }
0x38: {  	_ =	swait.ge [sflag:s28], $0x4000  }
0x39: {  	[sflag:s28] =	ssyncset.done $0x0  }
0x3a: {  	s18 =	simm.s32 $0x7F80;
	[sflag:s28] =	ssyncadd.s32 $0xFFFFC000  }
0x3b: {  	[tilespmem:s17], [sflag:$0x2] =	stream.indirect.gather [spmem:s2], $0x80, s18, s14, $0xb8;
	[tilespmem:$0x1E100] =	vst v63  }
0x3c: {  	_ =	swait.ge [sflag:s29], $0x4000  }
0x3d: {  	[sflag:s29] =	ssyncset.done $0x0  }
0x3e: {  	s20 =	simm.s32 $0x8000;
	[sflag:s29] =	ssyncadd.s32 $0xFFFFC000  }
0x3f: {  	[tilespmem:s19], [sflag:$0x3] =	stream.indirect.gather [spmem:s2], $0x80, s20, s14, $0xb8;
	[tilespmem:$0x1E100] =	vst v63  }
0x40: {  	_ =	swait.ge [sflag:s30], $0x4000  }
0x41: {  	[sflag:s30] =	ssyncset.done $0x0  }
0x42: {  	s1 =	simm.s32 $0x8080;
	[sflag:s30] =	ssyncadd.s32 $0xFFFFC000  }
0x43: {  	[tilespmem:s21], [sflag:$0x4] =	stream.indirect.gather [spmem:s2], $0x80, s1, s14, $0xb8;
	[tilespmem:$0x1E100] =	vst v63  }
0x44: {  	_ =	swait.ge [sflag:s22], $0x4000  }
0x45: {  	[sflag:s22] =	ssyncset.done $0x0  }
0x46: {  	s10 =	sadd.s32 $0xFFFFE800, s16;
	[sflag:s22] =	ssyncadd.s32 $0xFFFFC000  }
0x47: {  	[hbm4b:s10+s3] =	stream.linear.scatter [tilespmem:s15], [sflag:$0x5], $0x4000, $0x38;
	[tilespmem:$0x1E100] =	vst v63  }
0x48: {  	_ =	swait.ge [sflag:s23], $0x4000  }
0x49: {  	[sflag:s23] =	ssyncset.done $0x0  }
0x4a: {  	s18 =	sadd.s32 $0xFFFFF000, s16;
	[sflag:s23] =	ssyncadd.s32 $0xFFFFC000  }
0x4b: {  	[hbm4b:s18+s3] =	stream.linear.scatter [tilespmem:s17], [sflag:$0x6], $0x4000, $0x38;
	[tilespmem:$0x1E100] =	vst v63  }
0x4c: {  	_ =	swait.ge [sflag:s24], $0x4000  }
0x4d: {  	[sflag:s24] =	ssyncset.done $0x0  }
0x4e: {  	s20 =	sadd.s32 $0xFFFFF800, s16;
	[sflag:s24] =	ssyncadd.s32 $0xFFFFC000  }
0x4f: {  	[hbm4b:s20+s3] =	stream.linear.scatter [tilespmem:s19], [sflag:$0x7], $0x4000, $0x38;
	[tilespmem:$0x1E100] =	vst v63  }
0x50: {  	_ =	swait.ge [sflag:s25], $0x4000  }
0x51: {  	s0 =	sadd.s32 $0x2000, s16;
	[sflag:s25] =	ssyncset.done $0x0  }
0x52: {  	s1 =	simm.s32 $0x800;
	s10 =	smov.u32 s16;
	[sflag:s25] =	ssyncadd.s32 $0xFFFFC000  }
.LBB2_2:
0x53: {  	[hbm4b:s10+s3] =	stream.linear.scatter [tilespmem:s21], [sflag:$0x8], $0x4000, $0x38;
	[tilespmem:$0x1E100] =	vst v63  }
0x54: {  	s18 =	smov.u32 s1;
	s10 =	smov.u32 s0  }
0x55: {  	p1 =	sne.s32 s1, $0x18000;
	s1 =	sadd.s32 $0x800, s1;
	_ =	swait.ge [sflag:s26], $0x4000  }
0x56: {  	s18 =	sshra.s32 s18, $0x2;
	[sflag:s26] =	ssyncset.done $0x0  }
0x57: {  	s20 =	sadd.s32 $0x7F00, s18;
	[sflag:s26] =	ssyncadd.s32 $0xFFFFC000  }
0x58: {  	[tilespmem:s15], [sflag:$0x1] =	stream.indirect.gather [spmem:s2], $0x80, s20, s14, $0xb8;
	[tilespmem:$0x1E100] =	vst v63  }
0x59: {  	_ =	swait.ge [sflag:s28], $0x4000  }
0x5a: {  	[sflag:s28] =	ssyncset.done $0x0  }
0x5b: {  	s20 =	sadd.s32 $0x7F80, s18;
	[sflag:s28] =	ssyncadd.s32 $0xFFFFC000  }
0x5c: {  	[tilespmem:s17], [sflag:$0x2] =	stream.indirect.gather [spmem:s2], $0x80, s20, s14, $0xb8;
	[tilespmem:$0x1E100] =	vst v63  }
0x5d: {  	_ =	swait.ge [sflag:s29], $0x4000  }
0x5e: {  	[sflag:s29] =	ssyncset.done $0x0  }
0x5f: {  	s20 =	sadd.s32 $0x8000, s18;
	[sflag:s29] =	ssyncadd.s32 $0xFFFFC000  }
0x60: {  	[tilespmem:s19], [sflag:$0x3] =	stream.indirect.gather [spmem:s2], $0x80, s20, s14, $0xb8;
	[tilespmem:$0x1E100] =	vst v63  }
0x61: {  	_ =	swait.ge [sflag:s30], $0x4000  }
0x62: {  	[sflag:s30] =	ssyncset.done $0x0  }
0x63: {  	s18 =	sadd.s32 $0x8080, s18;
	[sflag:s30] =	ssyncadd.s32 $0xFFFFC000  }
0x64: {  	[tilespmem:s21], [sflag:$0x4] =	stream.indirect.gather [spmem:s2], $0x80, s18, s14, $0xb8;
	[tilespmem:$0x1E100] =	vst v63  }
0x65: {  	_ =	swait.ge [sflag:s22], $0x4000  }
0x66: {  	[sflag:s22] =	ssyncset.done $0x0  }
0x67: {  	s18 =	sadd.s32 $0xFFFFE800, s0;
	[sflag:s22] =	ssyncadd.s32 $0xFFFFC000  }
0x68: {  	[hbm4b:s18+s3] =	stream.linear.scatter [tilespmem:s15], [sflag:$0x5], $0x4000, $0x38;
	[tilespmem:$0x1E100] =	vst v63  }
0x69: {  	_ =	swait.ge [sflag:s23], $0x4000  }
0x6a: {  	[sflag:s23] =	ssyncset.done $0x0  }
0x6b: {  	s18 =	sadd.s32 $0xFFFFF000, s0;
	[sflag:s23] =	ssyncadd.s32 $0xFFFFC000  }
0x6c: {  	[hbm4b:s18+s3] =	stream.linear.scatter [tilespmem:s17], [sflag:$0x6], $0x4000, $0x38;
	[tilespmem:$0x1E100] =	vst v63  }
0x6d: {  	_ =	swait.ge [sflag:s24], $0x4000  }
0x6e: {  	[sflag:s24] =	ssyncset.done $0x0  }
.Ltmp0:
0x6f: {  	s18 =	sadd.s32 $0xFFFFF800, s0;
	[sflag:s24] =	ssyncadd.s32 $0xFFFFC000;
	(pc) =	sbr.rel @p1 .LBB2_2-.Ltmp0, $4  }
0x70: {  	[hbm4b:s18+s3] =	stream.linear.scatter [tilespmem:s19], [sflag:$0x7], $0x4000, $0x38;
	[tilespmem:$0x1E100] =	vst v63  }
0x71: {  	_ =	swait.ge [sflag:s25], $0x4000  }
0x72: {  	[sflag:s25] =	ssyncset.done $0x0  }
0x73: {  	s0 =	sadd.s32 $0x2000, s0;
	[sflag:s25] =	ssyncadd.s32 $0xFFFFC000  }
0x74: {  	[hbm4b:s10+s3] =	stream.linear.scatter [tilespmem:s21], [sflag:$0x8], $0x4000, $0x38;
	[tilespmem:$0x1E100] =	vst v63  }
0x75: {  	_ =	swait.ge [sflag:s26], $0x4000  }
0x76: {  	[sflag:s26] =	ssyncset.done $0x0  }
0x77: {  	[sflag:s26] =	ssyncadd.s32 $0xFFFFC000  }
0x78: {  	_ =	swait.ge [sflag:s28], $0x4000  }
0x79: {  	[sflag:s28] =	ssyncset.done $0x0  }
0x7a: {  	s31 =	sadd.s32 $0x1, s31;
	[sflag:s28] =	ssyncadd.s32 $0xFFFFC000  }
0x7b: {  	p1 =	sne.s32 s31, s5;
	_ =	swait.ge [sflag:s29], $0x4000  }
.Ltmp1:
0x7c: {  	[sflag:s29] =	ssyncset.done $0x0;
	(pc) =	sbr.rel @p1 .LBB2_1-.Ltmp1, $4  }
0x7d: {  	[sflag:s29] =	ssyncadd.s32 $0xFFFFC000  }
0x7e: {  	_ =	swait.ge [sflag:s30], $0x4000  }
0x7f: {  	[sflag:s30] =	ssyncset.done $0x0  }
0x80: {  	[sflag:s30] =	ssyncadd.s32 $0xFFFFC000  }
0x81: {  	_ =	sfence.sel $0x180000  }
0x82: {  	[bflag:$0x0] =	sbarrier.arrive $0xFFFF  }
0x83: {  	_ =	strace $0x90000047  }
0x84: {  	[bflag:$0x2] =	sbarrier.arrive $0xFFFF  }
0x85: {  	s0 =	rddreg [dreg:$0x4]  }
0x86: {  	s0 =	sadd.s32 @!p0 $0x100000, s0  }
0x87: {  	[sflag:s0] =	ssyncadd.tile.s32 @!p0 $0x1;
	_ =	shalt  }
.Lfunc_end2:
_tile_overlayer_lowered:
.L_overlay_start_2:
0x88: {  	(tag) =	ssettag $0x2  }
0x89: {  	s0 =	rddreg [dreg:$0x0];
	s2 =	stileid.u32  }
0x8a: {  	s1 =	rddreg [dreg:$0x1];
	p0 =	sne.s32 s2, $0x0  }
0x8b: {  	s3 =	rddreg [dreg:$0x2];
	[bflag:$0x3] =	sbarrier.arrive $0xFFFF;
	s2 =	simm.s32 @!p0 $0x1C09  }
0x8c: {  	[timem:s3], [sflag:s2] =	dma.local @!p0 [hbm:s0], s1  }
0x8d: {  	s0 =	simm.s32 @!p0 $0x9  }
0x8e: {  	_ =	swait.ge @!p0 [sflag:s0], s1  }
0x8f: {  	s1 =	ssub.s32 @!p0 $0x0, s1;
	[sflag:s0] =	ssyncset.done @!p0 $0x0  }
0x90: {  	[sflag:s0] =	ssyncadd.s32 @!p0 s1  }
0x91: {  	[bflag:$0x3] =	sbarrier.arrive $0xFFFF  }
0x92: {  	_ =	shalt  }

</sc_bundles>
